<compile_context>
chip_gen: v7x
topology: tpu7x:2x2x1
jax: 0.10.2.dev20260603
libtpu: 0.0.44.dev20260713+nightly
codegen_flags: <defaults>
</compile_context>

<pallas_src>
import dataclasses

import jax
import jax.numpy as jnp
from jax import lax
from jax.experimental import pallas as pl
from jax.experimental.pallas import tpu as pltpu
from jax.experimental.pallas import tpu_sc as plsc

V = 1000000
D = 64
B = 16384
C = 20
K = 17

NW = 32
PER_W = B // NW
CHUNK = 32
NCHUNK = PER_W // CHUNK
NB = 1


def _sc_scores_body(wcen, wctx, ctxT, cnF, out, ctxi, cni, scores,
                    accA, accB, rowsA, rowsB,
                    sem_cA, sem_cB, sem_rA, sem_rB):
    wid = lax.axis_index("s") * 2 + lax.axis_index("c")
    wbase = wid * PER_W

    pltpu.sync_copy(ctxT.at[:, pl.ds(wbase, PER_W)], ctxi)
    pltpu.sync_copy(cnF.at[pl.ds(wbase * K, PER_W * K)], cni)

    zeros16 = jnp.zeros((16,), jnp.float32)

    def zero_acc(acc):
        @pl.loop(0, CHUNK)
        def _(i):
            for b in range(NB):
                for j in range(D // 16):
                    acc[b, i, pl.ds(j * 16, 16)] = zeros16

    def issue(n, acc, rows, sem_c, sem_r):
        for c in range(C):
            pltpu.async_copy(wctx.at[ctxi.at[c, pl.ds(n * CHUNK, CHUNK)]],
                             acc.at[c % NB], sem_c, add=True)
        pltpu.async_copy(wcen.at[cni.at[pl.ds(n * CHUNK * K, CHUNK * K)]],
                         rows, sem_r)

    def wait(acc, rows, sem_c, sem_r):
        for c in range(C):
            pltpu.make_async_copy(
                wctx.at[ctxi.at[0, pl.ds(0, CHUNK)]], acc.at[c % NB],
                sem_c).wait()
        pltpu.make_async_copy(
            wcen.at[cni.at[pl.ds(0, CHUNK * K)]], rows, sem_r).wait()

    def do_chunk(n, acc_cur, rows_cur, sem_c_cur, sem_r_cur,
                 acc_nxt, rows_nxt, sem_c_nxt, sem_r_nxt):
        @pl.when(n + 1 < NCHUNK)
        def _():
            zero_acc(acc_nxt)
            issue(n + 1, acc_nxt, rows_nxt, sem_c_nxt, sem_r_nxt)

        wait(acc_cur, rows_cur, sem_c_cur, sem_r_cur)

        base = n * CHUNK
        lane = lax.iota(jnp.int32, 16)
        last = lane == 15

        @pl.loop(0, CHUNK)
        def _(i):
            cv = [acc_cur[0, i, pl.ds(j * 16, 16)] for j in range(D // 16)]
            for b in range(1, NB):
                cv = [cv[j] + acc_cur[b, i, pl.ds(j * 16, 16)]
                      for j in range(D // 16)]
            col = jnp.full((16,), base + i, jnp.int32)
            for k in range(K):
                w = rows_cur[i * K + k, pl.ds(0, 16)] * cv[0]
                for j in range(1, D // 16):
                    w = w + rows_cur[i * K + k, pl.ds(j * 16, 16)] * cv[j]
                plsc.store_scatter(scores,
                                   [jnp.full((16,), k, jnp.int32), col],
                                   jnp.cumsum(w), mask=last)

    zero_acc(accA)
    issue(0, accA, rowsA, sem_cA, sem_rA)

    @pl.loop(0, NCHUNK, step=2)
    def _(s):
        do_chunk(s, accA, rowsA, sem_cA, sem_rA, accB, rowsB, sem_cB, sem_rB)
        do_chunk(s + 1, accB, rowsB, sem_cB, sem_rB, accA, rowsA, sem_cA, sem_rA)

    pltpu.sync_copy(scores, out.at[:, pl.ds(wbase, PER_W)])


@jax.jit
def _sc_scores(wcen, wctx, ctxT, cnT):
    mesh = plsc.VectorSubcoreMesh(core_axis_name="c", subcore_axis_name="s")
    cp = pltpu.CompilerParams(use_tc_tiling_on_sc=False)
    if "needs_layout_passes" in pltpu.CompilerParams.__dataclass_fields__:
        cp = dataclasses.replace(cp, needs_layout_passes=False)
    f = pl.kernel(
        _sc_scores_body,
        out_type=jax.ShapeDtypeStruct((K, B), jnp.float32),
        mesh=mesh,
        scratch_types=[
            pltpu.VMEM((C, PER_W), jnp.int32),
            pltpu.VMEM((PER_W * K,), jnp.int32),
            pltpu.VMEM((K, PER_W), jnp.float32),
            pltpu.VMEM((NB, CHUNK, D), jnp.float32),
            pltpu.VMEM((NB, CHUNK, D), jnp.float32),
            pltpu.VMEM((CHUNK * K, D), jnp.float32),
            pltpu.VMEM((CHUNK * K, D), jnp.float32),
            pltpu.SemaphoreType.DMA,
            pltpu.SemaphoreType.DMA,
            pltpu.SemaphoreType.DMA,
            pltpu.SemaphoreType.DMA,
        ],
        compiler_params=cp,
    )
    return f(wcen, wctx, ctxT, cnT)


def _tc_loss_body(s_ref, o_ref):
    x = s_ref[...]
    zp = x[0:1, :]
    zn = -x[1:K, :]
    lsp = jnp.minimum(zp, 0.0) - jnp.log1p(jnp.exp(-jnp.abs(zp)))
    lsn = jnp.minimum(zn, 0.0) - jnp.log1p(jnp.exp(-jnp.abs(zn)))
    o_ref[0, 0] = -(jnp.sum(lsp) + jnp.sum(lsn)) / float(K * B)


@jax.jit
def _tc_loss(scores):
    return pl.pallas_call(
        _tc_loss_body,
        out_shape=jax.ShapeDtypeStruct((1, 1), jnp.float32),
        in_specs=[pl.BlockSpec((K, B), lambda: (0, 0))],
        out_specs=pl.BlockSpec(memory_space=pltpu.SMEM),
    )(scores)


RBH = 8192
NBLK = 61
VPAD = NBLK * RBH
VTAIL = 2 * VPAD
NROW = V // 2


def _tpose_body(lo_ref, hi_ref, tail_ref, out_ref):
    i = pl.program_id(0)
    eye = (lax.broadcasted_iota(jnp.int32, (2 * D, 2 * D), 0) ==
           lax.broadcasted_iota(jnp.int32, (2 * D, 2 * D), 1)).astype(jnp.float32)

    @pl.when(i < NBLK)
    def _():
        x = jnp.concatenate([lo_ref[...], hi_ref[...]], axis=0)
        out_ref[...] = lax.dot_general(x, eye, (((0,), (0,)), ((), ())),
                                       preferred_element_type=jnp.float32)

    @pl.when(i == NBLK)
    def _():
        out_ref[0:(NROW - NBLK * RBH), :] = tail_ref[...]


@jax.jit
def _tc_pack(WT, tail):
    hi_max = (V - RBH) // RBH
    out = pl.pallas_call(
        _tpose_body,
        grid=(NBLK + 1,),
        in_specs=[pl.BlockSpec((D, RBH), lambda i: (0, jnp.minimum(i, NBLK - 1))),
                  pl.BlockSpec((D, RBH),
                               lambda i: (0, jnp.minimum(i + NBLK, hi_max))),
                  pl.BlockSpec((NROW - NBLK * RBH, 2 * D), lambda i: (0, 0))],
        out_specs=pl.BlockSpec((RBH, 2 * D), lambda i: (i, 0)),
        out_shape=jax.ShapeDtypeStruct((NROW, 2 * D), jnp.float32),
    )(WT, WT, tail)
    return jnp.reshape(out, (V, D))


def _pack_table(W):
    tail = jnp.reshape(W[VTAIL:, :], (NROW - NBLK * RBH, 2 * D))
    return _tc_pack(W.T, tail)


def _lin_idx(idx):
    idx = idx.astype(jnp.int32)
    return jnp.where(idx < VPAD, 2 * idx,
                     jnp.where(idx < VTAIL, 2 * (idx - VPAD) + 1, idx))


def kernel(center, contexts, negatives, W_center, W_context):
    ctxT = _lin_idx(contexts.T)
    cnF = _lin_idx(jnp.concatenate(
        [center[:, None], negatives], axis=1)).reshape(B * K)
    scores = _sc_scores(_pack_table(W_center), _pack_table(W_context),
                        ctxT, cnF)
    return _tc_loss(scores)[0, 0]

# --- scband reference (transcript-rebuilt; emitter-appended) ---
"""Pipeline reference for scband-cbo-w-11862699671706 (READ-ONLY COPY).

The authoritative reference and input builder live on the scoring server;
editing this copy changes nothing except your own understanding.
"""

import jax, jax.numpy as jnp
import numpy as np

V = 1000000
D = 64
B = 16384
C = 20
NEG = 16

def setup_inputs(seed: int = 0) -> dict:
    key = jax.random.key(seed)
    k1, k2, k3, k4, k5 = jax.random.split(key, 5)
    center = jax.random.randint(k1, (B,), 0, V, dtype=jnp.int64) if jax.config.jax_enable_x64 else jax.random.randint(k1, (B,), 0, V).astype(jnp.int32)
    contexts = jax.random.randint(k2, (B, C), 0, V).astype(center.dtype)
    negatives = jax.random.randint(k3, (B, NEG), 0, V).astype(center.dtype)
    # learned parameters: center and context embedding tables
    # (torch init: center uniform(-0.5/dim, 0.5/dim), context zeros; we use
    # small random values for both so the benchmark is non-degenerate)
    W_center = jax.random.uniform(k4, (V, D), dtype=jnp.float32, minval=-0.5 / D, maxval=0.5 / D)
    W_context = jax.random.normal(k5, (V, D), dtype=jnp.float32) * (0.5 / D)
    return {"center": center, "contexts": contexts, "negatives": negatives,
            "W_center": W_center, "W_context": W_context}

def reference(center, contexts, negatives, W_center, W_context):
    # CBoW.cbow forward
    center_emb = jnp.take(W_center, center, axis=0)        # [B, D]
    context_emb = jnp.take(W_context, contexts, axis=0)    # [B, C, D]
    negative_emb = jnp.take(W_center, negatives, axis=0)   # [B, NEG, D]
    context_vec = jnp.sum(context_emb, axis=1)             # [B, D]
    emb = jnp.concatenate([center_emb[:, None, :], -negative_emb], axis=1)  # [B, 1+NEG, D]
    # bmm(emb, context_vec.unsqueeze(2)).squeeze(2)
    score = jnp.einsum('bkd,bd->bk', emb, context_vec)     # [B, 1+NEG]
    loss = -jnp.mean(jax.nn.log_sigmoid(score))
    return loss

if __name__ == "__main__":
    import jax
    _d = setup_inputs()
    print(jax.jit(kernel)(*tuple(_d.values())))

</pallas_src>

<mosaic_0001>
module attributes {stable_mosaic.version = 14 : i64} {
  func.func @_tpose_body(%arg0: i32, %arg1: memref<64x8192xf32, #tpu.memory_space<vmem>>, %arg2: memref<64x8192xf32, #tpu.memory_space<vmem>>, %arg3: memref<288x128xf32, #tpu.memory_space<vmem>>, %arg4: memref<8192x128xf32, #tpu.memory_space<vmem>>) attributes {dimension_semantics = [#tpu.dimension_semantics<arbitrary>], iteration_bounds = array<i64: 62>, scalar_prefetch = 0 : i64, scratch_operands = 0 : i64, tpu.core_type = #tpu.core_type<tc>, window_params = [{transform_indices = @transform_0, window_bounds = array<i64: 64, 8192>}, {transform_indices = @transform_1, window_bounds = array<i64: 64, 8192>}, {pipeline_mode = #tpu.pipeline_mode<synchronous>, transform_indices = @transform_2, window_bounds = array<i64: 288, 128>}, {transform_indices = @transform_3, window_bounds = array<i64: 8192, 128>}]} {
    %iota3A = tpu.iota {dimensions = array<i32: 0>} : vector<128x128xi32>
    %iota3A_0 = tpu.iota {dimensions = array<i32: 1>} : vector<128x128xi32>
    %eq3A = arith.cmpi eq, %iota3A, %iota3A_0 : vector<128x128xi32>
    %convert_element_type3A = arith.extui %eq3A : vector<128x128xi1> to vector<128x128xi32>
    %convert_element_type3A_1 = arith.sitofp %convert_element_type3A : vector<128x128xi32> to vector<128x128xf32>
    %lt3A = arith.constant 61 : i32
    %lt3A_2 = arith.cmpi slt, %arg0, %lt3A : i32
    %convert_element_type3A_3 = arith.extui %lt3A_2 : i1 to i32
    %cond3A = arith.constant 0 : i32
    %cond3A_4 = arith.cmpi ne, %convert_element_type3A_3, %cond3A : i32
    scf.if %cond3A_4 {
      %get3A = arith.constant 0 : index
      %get3A_10 = arith.constant 0 : index
      %get3A_11 = vector.load %arg1[%get3A, %get3A_10] : memref<64x8192xf32, #tpu.memory_space<vmem>>, vector<64x8192xf32>
      %get3A_12 = arith.constant 0 : index
      %get3A_13 = arith.constant 0 : index
      %get3A_14 = vector.load %arg2[%get3A_12, %get3A_13] : memref<64x8192xf32, #tpu.memory_space<vmem>>, vector<64x8192xf32>
      %concatenate3A = tpu.concatenate %get3A_11, %get3A_14 in 0 : vector<64x8192xf32>, vector<64x8192xf32> -> vector<128x8192xf32>
      %dot_general3A = arith.constant dense<0.000000e+00> : vector<8192x128xf32>
      %dot_general3A_15 = tpu.matmul %concatenate3A, %convert_element_type3A_1, %dot_general3A {dimension_numbers = #tpu.dot_dimension_numbers<[0], [0], [1], [1], [0, 1, 1, 1], [], []>, transpose_lhs_hint = false} : vector<128x8192xf32>, vector<128x128xf32>, vector<8192x128xf32> -> vector<8192x128xf32>
      %swap3A = arith.constant 0 : index
      %swap3A_16 = arith.constant 0 : index
      %swap3A_17 = vector.load %arg4[%swap3A, %swap3A_16] : memref<8192x128xf32, #tpu.memory_space<vmem>>, vector<8192x128xf32>
      tpu.vector_store %arg4[%swap3A, %swap3A_16], %dot_general3A_15 {strides = array<i32>} : memref<8192x128xf32, #tpu.memory_space<vmem>>, vector<8192x128xf32>,
    } else {
    }
    %eq3A_5 = arith.constant 61 : i32
    %eq3A_6 = arith.cmpi eq, %arg0, %eq3A_5 : i32
    %convert_element_type3A_7 = arith.extui %eq3A_6 : i1 to i32
    %cond3A_8 = arith.constant 0 : i32
    %cond3A_9 = arith.cmpi ne, %convert_element_type3A_7, %cond3A_8 : i32
    scf.if %cond3A_9 {
      %get3A = arith.constant 0 : index
      %get3A_10 = arith.constant 0 : index
      %get3A_11 = vector.load %arg3[%get3A, %get3A_10] : memref<288x128xf32, #tpu.memory_space<vmem>>, vector<288x128xf32>
      %swap3A = arith.constant 0 : index
      %swap3A_12 = arith.constant 0 : index
      %swap3A_13 = vector.load %arg4[%swap3A, %swap3A_12] : memref<8192x128xf32, #tpu.memory_space<vmem>>, vector<288x128xf32>
      tpu.vector_store %arg4[%swap3A, %swap3A_12], %get3A_11 {strides = array<i32>} : memref<8192x128xf32, #tpu.memory_space<vmem>>, vector<288x128xf32>,
    } else {
    }
    return
  }
  func.func @transform_0(%arg0: i32) -> (i32, i32) {
    %min3A = arith.constant 60 : i32
    %min3A_0 = arith.minsi %arg0, %min3A : i32
    %c0_i32 = arith.constant 0 : i32
    %c0_i32_1 = arith.constant 0 : i32
    return %c0_i32, %min3A_0 : i32, i32
  }
  func.func @transform_1(%arg0: i32) -> (i32, i32) {
    %add3A = arith.constant 61 : i32
    %add3A_0 = arith.addi %arg0, %add3A : i32
    %min3A = arith.constant 121 : i32
    %min3A_1 = arith.minsi %add3A_0, %min3A : i32
    %c0_i32 = arith.constant 0 : i32
    %c0_i32_2 = arith.constant 0 : i32
    return %c0_i32, %min3A_1 : i32, i32
  }
  func.func @transform_2(%arg0: i32) -> (i32, i32) {
    %c0_i32 = arith.constant 0 : i32
    %c0_i32_0 = arith.constant 0 : i32
    %c0_i32_1 = arith.constant 0 : i32
    return %c0_i32, %c0_i32_0 : i32, i32
  }
  func.func @transform_3(%arg0: i32) -> (i32, i32) {
    %c0_i32 = arith.constant 0 : i32
    %c0_i32_0 = arith.constant 0 : i32
    return %arg0, %c0_i32 : i32, i32
  }
}

</mosaic_0001>

<sc_bundles>
// kernel: sparse-core-data-format-call.cloned.1.call-start
scs
called_computation_lowered:
.L_overlay_start_0:
0x0: {  	s2 =	sld [smem:$0x3FD9]  }
0x1: {  	s3 =	sld [smem:$0x3FFE];
	_ =	sdelay $0x1  }
0x2: {  	s1 =	srdreg.scid  }
0x3: {  	s0 =	sand.u32 $0x1, s1  }
0x4: {  	s18 =	sshll.u32 s0, $0xA;
	s2 =	sadd.s32 s3, s2  }
0x5: {  	s2 =	sadd.s32 s2, s18  }
0x6: {  	[smem:$0x3FC6] =	sst s2  }
0x7: {  	_ = 	snop  }
0x8: {  	s2 =	sld [smem:$0x3FD0];
	(tm) =	ssettm $0x1  }
0x9: {  	s19 =	sld [smem:$0x3FFB];
	_ =	sdelay $0x3  }
0xa: {  	_ =	strace s19  }
0xb: {  	s3 =	sld [smem:$0x3FFC];
	_ =	sdelay $0x3  }
0xc: {  	_ =	strace s3  }
0xd: {  	s3 =	sld [smem:$0x3FFD];
	_ =	sdelay $0x3  }
0xe: {  	_ =	strace s3  }
0xf: {  	_ =	strace $0x8FFFFFFF  }
0x10: {  	s20 =	sld [smem:$0x3FDB];
	_ =	sdelay $0x1  }
0x11: {  	s4 =	simm.s32 $_scs_section_size  }
0x12: {  	s5 =	simm.s32 $_size__tile_overlayer_lowered;
	s6 =	simm.s32 $_tile_overlayer_lowered  }
0x13: {  	s23 =	simm.s32 $0x1BFF;
	s22 =	sshll.u32 s6, $0x1;
	s3 =	sadd.s32 s4, s20  }
0x14: {  	s7 =	simm.s32 $0x0;
	s21 =	sshll.u32 s5, $0x1;
	s5 =	sadd.s32 s22, s3  }
0x15: {  	[timem:s7], [sflag:s23] =	dma.local [hbm:s5], s21  }
0x16: {  	_ =	swait.ge [sflag:s23], s21  }
0x17: {  	s4 =	ssub.s32 $0x0, s21;
	[sflag:s23] =	ssyncset.done $0x0  }
0x18: {  	[sflag:s23] =	ssyncadd.s32 s4;
	_ =	sdelay $0x1  }
0x19: {  	s24 =	simm.s32 $0x1B8B  }
0x1a: {  	_ =	swait.ge [sflag:s24], $0x1  }
0x1b: {  	[sflag:s24] =	ssyncset.done $0x0  }
0x1c: {  	s26 =	simm.s32 $0x1B8E;
	s25 =	sld [smem:$0x3FFE];
	[sflag:s24] =	ssyncadd.s32 $0xFFFFFFFF  }
0x1d: {  	s27 =	simm.s32 $execute0_lowered;
	[smem:$0x3FD2] =	sst s26  }
0x1e: {  	s5 =	sshll.u32 s27, $0x1;
	_ =	strace $0x80000046;
	[dreg:$0x1] =	wrdreg $0xFFFFFFFF  }
0x1f: {  	s28 =	simm.s32 $_size_execute0_lowered;
	s3 =	sadd.s32 s3, s5;
	[dreg:$0x0] =	wrdreg $0x0  }
0x20: {  	s5 =	sshll.u32 s28, $0x1;
	[dreg:$0x2] =	wrdreg s3  }
0x21: {  	[dreg:$0x3] =	wrdreg s5  }
0x22: {  	[dreg:$0x4] =	wrdreg $0xC0  }
0x23: {  	_ =	task [dreg:s7], $0x5FFFF  }
0x24: {  	[dreg:$0x1] =	wrdreg $0xFFFFFFFF  }
0x25: {  	[dreg:$0x0] =	wrdreg $0x60  }
0x26: {  	[dreg:$0x2] =	wrdreg s25  }
0x27: {  	[dreg:$0x3] =	wrdreg s2  }
0x28: {  	[dreg:$0x4] =	wrdreg $0x9  }
0x29: {  	_ =	task.clear_ibuf [dreg:s7], $0x5FFFF;
	_ =	strace $0x90000046  }
0x2a: {  	s29 =	simm.s32 $0x9;
	_ =	strace $0x80000048  }
0x2b: {  	_ =	swait.ge [sflag:s29], $0x1  }
0x2c: {  	[sflag:s29] =	ssyncadd.s32 $0xFFFFFFFF  }
0x2d: {  	_ =	strace $0x90000048  }
0x2e: {  	_ =	sfence  }
0x2f: {  	s30 =	sld [smem:$0x0];
	_ =	sdelay $0x2  }
0x30: {  	s31 =	sshll.u32 s1, $0xD;
	s1 =	sshrl.u32 s1, $0x2  }
0x31: {  	s3 =	sand.u32 $0x4000, s31;
	s1 =	sadd.s32 s1, s30  }
0x32: {  	s0 =	sor.u32 s3, s0;
	s1 =	sshll.u32 s1, $0x11  }
0x33: {  	s0 =	sor.u32 s1, s0  }
0x34: {  	s0 =	sadd.s32 $0x8F2B, s0  }
0x35: {  	[sflag:s0] =	ssyncadd.remote.s32 $0x1  }
0x36: {  	_ =	sfence.sel $0xFFFF  }
0x37: {  	[dreg:$0x0] =	wrdreg $0xFFFFFFFF;
	(pc) =	sbr.abs _section_cstart, $3  }
0x38: {  	[dreg:$0x1] =	wrdreg $0xFFFFFFFF  }
0x39: {  	_ =	task.clear_ibuf [dreg:s7], $0x2FFFF;
	_ =	strace $0x9FFFFFFF  }
0x3a: {  	(tm) =	ssettm $0x7FFFFFFF  }
0x3b: {  	_ =	shalt  }
tec
execute0_lowered:
.L_overlay_start_1:
0x0: {  	(tag) =	ssettag $0x1  }
0x1: {  	s4 =	rddreg [dreg:$0x0]  }
0x2: {  	s0 =	srdreg.scid;
	s2 =	rddreg [dreg:$0x1]  }
0x3: {  	s1 =	stileid.u32;
	s5 =	simm.s32 $0x1;
	s0 =	sshll.u32 s0, $0x4  }
0x4: {  	s7 =	simm.s32 $0x2;
	s11 =	simm.s32 $0x0;
	s3 =	sand.u32 $0x10, s0  }
.Ltmp0:
0x5: {  	p0 =	por $0x0, $0x0;
	s3 =	sor.u32 s1, s3;
	(pc) =	sbr.rel .LBB1_1-.Ltmp0, $4  }
0x6: {  	s8 =	simm.s32 $0x7A1400;
	s10 =	simm.s32 $0x0;
	s3 =	sshll.u32 s3, $0x7  }
0x7: {  	s0 =	rddreg [dreg:$0x2];
	_ =	strace $0x80000047;
	s6 =	ssub.s32 $0xF4200, s3  }
0x8: {  	s4 =	sadd.s32 $0x600, s4;
	[sflag:s5] =	ssyncpa.u1 $0x0;
	s6 =	sshrl.u32 s6, $0xC  }
0x9: {  	[sflag:s7] =	ssyncpa.u1 $0x0;
	s9 =	smov.u32 s3;
	s7 =	sadd.s32 $0x2, s6  }
.LBB1_5:
0xa: {  	s13 =	sadd.s32 $0x1000, s9  }
0xb: {  	p2 =	sgt.s32 s13, $0xF423F  }
0xc: {  	s13 =	smov.u32 @p2 s3;
	p2 =	sne.s32 s10, s7  }
.Ltmp1:
0xd: {  	p1 =	slt.u32 s10, $0x2;
	(pc) =	sbr.rel @!p2 .LBB1_6-.Ltmp1, $4  }
0xe: {  	s12 =	simm.s32 @!p1 $0x2  }
0xf: {  	s14 =	sadd.s32 $0x1, s10;
	_ =	swait.ge @!p1 [sflag:s12], $0x2000  }
0x10: {  	s11 =	smov.u32 s9;
	p0 =	por !p0, !p0;
	[sflag:s12] =	ssyncset.done @!p1 $0x0  }
0x11: {  	s10 =	smov.u32 s14;
	s9 =	smov.u32 s13;
	[sflag:s12] =	ssyncadd.s32 @!p1 $0xFFFFE000  }
.LBB1_1:
0x12: {  	p1 =	sgt.u32 s10, s6  }
0x13: {  	s13 =	smov.u32 s9;
	p2 =	sgt.s32 @!p1 s9, $0xF41C0  }
0x14: {  	s12 =	sand.u32 @!p1 $0x1FFFFFF, s9;
	s14 =	sshra.s32 @!p1 s9, $0x1F;
	p2 =	por !p2, p1  }
0x15: {  	s15 =	smulhi.u32 @!p1 $0x218DEF5, s12;
	s14 =	sand.u32 @!p1 s14, s9;
	s13 =	simm.s32 @p2 $0xF41C0  }
0x16: {  	s13 =	ssub.s32 @!p1 s13, s14  }
0x17: {  	s14 =	sshrl.u32 @!p1 s15, $0xD;
	s13 =	sadd.s32 @!p1 $0xFFF0BE40, s13  }
0x18: {  	s15 =	sxor.u32 @!p1 $0xFFFFFFFF, s10;
	s14 =	smul.u32 @!p1 $0xF4240, s14;
	s16 =	sshll.u32 @!p1 s13, $0x8  }
0x19: {  	s15 =	sshll.u32 @!p1 s15, $0xD;
	p2 =	sgt.s32 @!p1 s13, $0x7F;
	s13 =	ssub.s32 @!p1 $0x8000, s16  }
0x1a: {  	s12 =	ssub.s32 @!p1 s12, s14;
	p2 =	por !p2, p1;
	s14 =	sand.u32 @!p1 $0x2000, s15  }
0x1b: {  	s15 =	simm.s32 @!p1 $0x40;
	s13 =	sshrl.u32 @!p1 s13, $0x2;
	s12 =	sshll.u32 @!p1 s12, $0x4  }
0x1c: {  	s16 =	simm.s32 @!p1 $0x80;
	s13 =	simm.s32 @!p2 $0x0;
	s12 =	sadd.s32 @!p1 s4, s12  }
0x1d: {  	[tilespmem:s14], [sflag:$0x1] =	stream.strided.gather @!p1 [hbm4b:s12+s15], s13, s16, s15, $0x38;
	[tilespmem:$0x8080] =	vst v63  }
0x1e: {  	p1 =	seq.s32 s10, $0x0  }
0x1f: {  	p2 =	sge.u32 @!p1 s10, s7  }
0x20: {  	p1 =	por p1, p2  }
.Ltmp2:
0x21: {  	_ = 	snop;
	(pc) =	sbr.rel @p1 .LBB1_5-.Ltmp2, $1  }
0x22: {  	_ =	sdelay $0x3  }
0x23: {  	p1 =	sgt.s32 s11, $0xF41C0;
	s12 =	smov.u32 s11;
	s13 =	sshra.s32 s11, $0x1F  }
0x24: {  	s12 =	simm.s32 @!p1 $0xF41C0;
	s13 =	sand.u32 s13, s11  }
0x25: {  	s12 =	ssub.s32 s12, s13  }
0x26: {  	s12 =	sadd.s32 $0xFFF0BE40, s12  }
0x27: {  	s28 =	sshll.u32 s12, $0x8  }
0x28: {  	s13 =	ssub.s32 $0x8000, s28  }
0x29: {  	p1 =	sgt.s32 s12, $0x7F;
	s12 =	sshrl.u32 s13, $0x2  }
0x2a: {  	s13 =	simm.s32 $0x1;
	s12 =	simm.s32 @p1 $0x0  }
0x2b: {  	s13 =	simm.s32 @!p0 $0x0;
	_ =	swait.ge [sflag:s5], s12  }
0x2c: {  	s14 =	sshll.u32 s13, $0xD;
	s12 =	ssub.s32 $0x0, s12;
	[sflag:s5] =	ssyncset.done $0x0  }
0x2d: {  	s16 =	sor.u32 $0x20, s14;
	[sflag:s5] =	ssyncadd.s32 s12  }
0x2e: {  	s29 =	smul.u32 $0x8100, s13;
	v3 =	vld [tilespmem:s16+$0x10]  }
0x2f: {  	s30 =	sand.u32 $0x1, s10;
	v2 =	vld [tilespmem:s16+$0xFFFFFFF0]  }
0x30: {  	s13 =	smul.u32 $0x8100, s30;
	s12 =	sshrl.u32 s29, $0x2;
	v0 =	vld [tilespmem:s16+$0x0]  }
0x31: {  	s14 =	sor.u32 $0x4000, s12;
	v1 =	vld [tilespmem:s16+$0xFFFFFFE0]  }
0x32: {  	s31 =	sshrl.u32 s13, $0x2;
	s13 =	sadd.s32 $0x0, s14  }
0x33: {  	s15 =	simm.s32 $0x4;
	s12 =	sor.u32 $0x4000, s31;
	s16 =	sadd.s32 $0x40, s16;
	[tilespmem:s13+$0x1830 ss:$0x81] =	vst.msk $0xffff, v3  }
.LBB1_3:
0x34: {  	v3 =	vld [tilespmem:s16+$0x10];
	p1 =	sne.s32 s15, $0x1FC;
	[tilespmem:s13+$0x810 ss:$0x81] =	vst.msk $0xffff, v2;
	s17 =	smov.u32 s15;
	s15 =	sadd.s32 $0x4, s15  }
.Ltmp3:
0x35: {  	v2 =	vld [tilespmem:s16+$0xFFFFFFF0];
	[tilespmem:s13+$0x1020 ss:$0x81] =	vst.msk $0xffff, v0;
	(pc) =	sbr.rel @p1 .LBB1_3-.Ltmp3, $4  }
0x36: {  	v0 =	vld [tilespmem:s16+$0x0];
	[tilespmem:s13+$0x0 ss:$0x81] =	vst.msk $0xffff, v1  }
0x37: {  	s13 =	sshra.s32 s17, $0x2;
	v1 =	vld [tilespmem:s16+$0xFFFFFFE0]  }
0x38: {  	s13 =	sadd.s32 s13, s14  }
0x39: {  	s16 =	sadd.s32 $0x40, s16;
	[tilespmem:s13+$0x1830 ss:$0x81] =	vst.msk $0xffff, v3  }
0x3a: {  	s14 =	sshll.u32 s11, $0x3  }
0x3b: {  	s30 =	sand.u32 $0x7F, s11;
	s14 =	sand.u32 $0xFFFFFC00, s14  }
0x3c: {  	s11 =	sor.u32 s30, s14  }
0x3d: {  	s15 =	smulhi.u32 $0x218D6287, s11;
	_ =	sdelay $0x1  }
0x3e: {  	s14 =	smulhi.u32 $0x218D6287, s14;
	s15 =	sshrl.u32 s15, $0x11  }
0x3f: {  	s15 =	smul.u32 $0xF4280, s15  }
0x40: {  	s14 =	sshrl.u32 s14, $0x11  }
.Ltmp4:
0x41: {  	s14 =	sand.u32 $0x3F, s14;
	s11 =	ssub.s32 s11, s15;
	(pc) =	sbr.rel .LBB1_5-.Ltmp4, $4  }
0x42: {  	[tilespmem:s13+$0x810 ss:$0x81] =	vst.msk $0xffff, v2;
	s14 =	smul.u32 $0x1E850, s14;
	s15 =	sshrl.u32 s11, $0x3;
	s11 =	sand.u32 $0x7, s11  }
0x43: {  	[tilespmem:s13+$0x1020 ss:$0x81] =	vst.msk $0xffff, v0;
	s15 =	sadd.s32 s2, s15;
	s11 =	sshll.u32 s11, $0x12  }
0x44: {  	[tilespmem:s13+$0x0 ss:$0x81] =	vst.msk $0xffff, v1;
	s31 =	sadd.s32 s14, s15;
	s11 =	sor.u32 $0x400, s11  }
0x45: {  	[hbm4b:s31+s11] =	stream.strided.scatter [tilespmem:s12], [sflag:$0x2], $0x2000, s8, s11, $0x20;
	[tilespmem:$0x8080] =	vst v63  }
.LBB1_6:
0x46: {  	_ =	sfence.sel $0x180000  }
0x47: {  	s2 =	simm.s32 $0x1;
	[bflag:$0x0] =	sbarrier.arrive $0xFFFF  }
0x48: {  	s31 =	simm.s32 $0x2;
	[sflag:s2] =	ssyncpa.u1 $0x1  }
0x49: {  	[sflag:s31] =	ssyncpa.u1 $0x1  }
0x4a: {  	p0 =	sne.s32 s1, $0x0;
	_ =	strace $0x90000047  }
0x4b: {  	s0 =	sadd.s32 @!p0 $0x100000, s0;
	[bflag:$0x2] =	sbarrier.arrive $0xFFFF  }
0x4c: {  	[sflag:s0] =	ssyncadd.tile.s32 @!p0 $0x1;
	_ =	shalt  }
.Lfunc_end1:
_tile_overlayer_lowered:
.L_overlay_start_2:
0x4d: {  	(tag) =	ssettag $0x2  }
0x4e: {  	s0 =	rddreg [dreg:$0x0];
	s2 =	stileid.u32  }
0x4f: {  	s1 =	rddreg [dreg:$0x1];
	p0 =	sne.s32 s2, $0x0  }
0x50: {  	s3 =	rddreg [dreg:$0x2];
	[bflag:$0x3] =	sbarrier.arrive $0xFFFF;
	s2 =	simm.s32 @!p0 $0x1C01  }
0x51: {  	[timem:s3], [sflag:s2] =	dma.local @!p0 [hbm:s0], s1  }
0x52: {  	s0 =	simm.s32 @!p0 $0x1  }
0x53: {  	_ =	swait.ge @!p0 [sflag:s0], s1  }
0x54: {  	s1 =	ssub.s32 @!p0 $0x0, s1;
	[sflag:s0] =	ssyncset.done @!p0 $0x0  }
0x55: {  	[sflag:s0] =	ssyncadd.s32 @!p0 s1  }
0x56: {  	[bflag:$0x3] =	sbarrier.arrive $0xFFFF  }
0x57: {  	_ =	shalt  }

</sc_bundles>
